<compile_context>
chip_gen: v7x
topology: tpu7x:2x2x1
jax: 0.10.2.dev20260603
libtpu: 0.0.44.dev20260713+nightly
codegen_flags: <defaults>
</compile_context>

<pallas_src>
import functools

import jax
import jax.numpy as jnp
from jax import lax
from jax.experimental import pallas as pl
from jax.experimental.pallas import tpu as pltpu
from jax.experimental.pallas import tpu_sc as plsc

_INDEX = 10

_mesh = plsc.VectorSubcoreMesh(core_axis_name="c", subcore_axis_name="s")


@functools.partial(
    pl.kernel,
    mesh=_mesh,
    out_type=[
        jax.ShapeDtypeStruct((8, 32, 8, 128), jnp.float32),
        jax.ShapeDtypeStruct((8, 32, 8, 128), jnp.float32),
    ],
    scratch_types=[pltpu.VMEM((16, 8, 128), jnp.float32)],
)
def _sc_slice(x0v, x1v, o0, o1, buf):
    wid = lax.axis_index("s") * 2 + lax.axis_index("c")
    q = wid // 2
    t8 = q // 2
    t32 = (q % 2) * 16

    @pl.when(wid % 2 == 0)
    def _():
        pltpu.sync_copy(x0v.at[_INDEX, t8, pl.ds(t32, 16)], buf)
        pltpu.sync_copy(buf, o0.at[t8, pl.ds(t32, 16)])

    @pl.when(wid % 2 == 1)
    def _():
        pltpu.sync_copy(x1v.at[_INDEX, t8, pl.ds(t32, 16)], buf)
        pltpu.sync_copy(buf, o1.at[t8, pl.ds(t32, 16)])


def kernel(x0, x1):
    x0v = x0.reshape(32, 128, 200, 8, 8).transpose(2, 3, 0, 4, 1)
    x1v = x1.reshape(32, 128, 200, 8, 8).transpose(2, 3, 0, 4, 1)
    o0, o1 = _sc_slice(x0v, x1v)
    o0 = o0.transpose(1, 3, 0, 2).reshape(4096, 64)
    o1 = o1.transpose(1, 3, 0, 2).reshape(4096, 64)
    return o0, o1

# --- scband reference (transcript-rebuilt; emitter-appended) ---
"""Pipeline reference for scband-index-sampler-8495445311994 (READ-ONLY COPY).

The authoritative reference and input builder live on the scoring server;
editing this copy changes nothing except your own understanding.
"""

import jax, jax.numpy as jnp
import numpy as np

INDEX = 10

def setup_inputs(seed: int = 0) -> dict:
    key = jax.random.key(seed)
    k0, k1 = jax.random.split(key)
    x0 = jax.random.normal(k0, (4096, 200, 64), dtype=jnp.float32)
    x1 = jax.random.normal(k1, (4096, 200, 64), dtype=jnp.float32)
    return {"x0": x0, "x1": x1}

def reference(x0, x1):
    # IndexSampler.forward: (tensor[:, self.index] for tensor in tensors)
    # Faithful translation: slice index INDEX along dim 1 of every input tensor.
    out0 = x0[:, INDEX]
    out1 = x1[:, INDEX]
    return (out0, out1)

if __name__ == "__main__":
    import jax
    _d = setup_inputs()
    print(jax.jit(kernel)(*tuple(_d.values())))

</pallas_src>

<mosaic_0001>
#map = affine_map<(d0, d1) -> (0, 0, 0, 0, 0)>
#map1 = affine_map<(d0, d1) -> (0, 0, 0, 0)>
module attributes {stable_mosaic.version = 14 : i64} {
  func.func @_sc_slice(%arg0: i32, %arg1: i32, %arg2: memref<200x8x32x8x128xf32, #tpu.memory_space<hbm>>, %arg3: memref<200x8x32x8x128xf32, #tpu.memory_space<hbm>>, %arg4: memref<8x32x8x128xf32, #tpu.memory_space<hbm>>, %arg5: memref<8x32x8x128xf32, #tpu.memory_space<hbm>>, %arg6: memref<16x8x128xf32, #tpu.memory_space<vmem>>) attributes {dimension_semantics = [#tpu.dimension_semantics<core_parallel>, #tpu.dimension_semantics<subcore_parallel>], iteration_bounds = array<i64: 2, 16>, scalar_prefetch = 0 : i64, scratch_operands = 1 : i64, tpu.core_type = #tpu.core_type<sc_vector_subcore>, window_params = [{transform_indices = #map}, {transform_indices = #map}, {transform_indices = #map1}, {transform_indices = #map1}]} {
    %mul3A = arith.constant 2 : i32
    %mul3A_0 = arith.muli %arg1, %mul3A : i32
    %add3A = arith.addi %mul3A_0, %arg0 : i32
    %jit3A = arith.constant 2 : i32
    %div3A = arith.divsi %add3A, %jit3A : i32
    %sign3A = arith.constant 0 : i32
    %sign3A_1 = arith.cmpi sgt, %add3A, %sign3A : i32
    %sign3A_2 = arith.extui %sign3A_1 : i1 to i32
    %sign3A_3 = arith.constant 0 : i32
    %sign3A_4 = arith.cmpi slt, %add3A, %sign3A_3 : i32
    %sign3A_5 = arith.extui %sign3A_4 : i1 to i32
    %sign3A_6 = arith.subi %sign3A_2, %sign3A_5 : i32
    %sign3A_7 = arith.constant 0 : i32
    %sign3A_8 = arith.cmpi sgt, %jit3A, %sign3A_7 : i32
    %sign3A_9 = arith.extui %sign3A_8 : i1 to i32
    %sign3A_10 = arith.constant 0 : i32
    %sign3A_11 = arith.cmpi slt, %jit3A, %sign3A_10 : i32
    %sign3A_12 = arith.extui %sign3A_11 : i1 to i32
    %sign3A_13 = arith.subi %sign3A_9, %sign3A_12 : i32
    %ne3A = arith.cmpi ne, %sign3A_6, %sign3A_13 : i32
    %rem3A = arith.remsi %add3A, %jit3A : i32
    %ne3A_14 = arith.constant 0 : i32
    %ne3A_15 = arith.cmpi ne, %rem3A, %ne3A_14 : i32
    %and3A = arith.andi %ne3A, %ne3A_15 : i1
    %sub3A = arith.constant 1 : i32
    %sub3A_16 = arith.subi %div3A, %sub3A : i32
    %select_n3A = arith.select %and3A, %sub3A_16, %div3A : i32
    %jit3A_17 = arith.constant 2 : i32
    %div3A_18 = arith.divsi %select_n3A, %jit3A_17 : i32
    %sign3A_19 = arith.constant 0 : i32
    %sign3A_20 = arith.cmpi sgt, %select_n3A, %sign3A_19 : i32
    %sign3A_21 = arith.extui %sign3A_20 : i1 to i32
    %sign3A_22 = arith.constant 0 : i32
    %sign3A_23 = arith.cmpi slt, %select_n3A, %sign3A_22 : i32
    %sign3A_24 = arith.extui %sign3A_23 : i1 to i32
    %sign3A_25 = arith.subi %sign3A_21, %sign3A_24 : i32
    %sign3A_26 = arith.constant 0 : i32
    %sign3A_27 = arith.cmpi sgt, %jit3A_17, %sign3A_26 : i32
    %sign3A_28 = arith.extui %sign3A_27 : i1 to i32
    %sign3A_29 = arith.constant 0 : i32
    %sign3A_30 = arith.cmpi slt, %jit3A_17, %sign3A_29 : i32
    %sign3A_31 = arith.extui %sign3A_30 : i1 to i32
    %sign3A_32 = arith.subi %sign3A_28, %sign3A_31 : i32
    %ne3A_33 = arith.cmpi ne, %sign3A_25, %sign3A_32 : i32
    %rem3A_34 = arith.remsi %select_n3A, %jit3A_17 : i32
    %ne3A_35 = arith.constant 0 : i32
    %ne3A_36 = arith.cmpi ne, %rem3A_34, %ne3A_35 : i32
    %and3A_37 = arith.andi %ne3A_33, %ne3A_36 : i1
    %sub3A_38 = arith.constant 1 : i32
    %sub3A_39 = arith.subi %div3A_18, %sub3A_38 : i32
    %select_n3A_40 = arith.select %and3A_37, %sub3A_39, %div3A_18 : i32
    %jit3A_41 = arith.constant 2 : i32
    %eq3A = arith.constant 0 : i32
    %eq3A_42 = arith.cmpi eq, %jit3A_41, %eq3A : i32
    %jit3A_43 = arith.constant 1 : i32
    %select_n3A_44 = arith.select %eq3A_42, %jit3A_43, %jit3A_41 : i32
    %rem3A_45 = arith.remsi %select_n3A, %select_n3A_44 : i32
    %ne3A_46 = arith.constant 0 : i32
    %ne3A_47 = arith.cmpi ne, %rem3A_45, %ne3A_46 : i32
    %lt3A = arith.constant 0 : i32
    %lt3A_48 = arith.cmpi slt, %rem3A_45, %lt3A : i32
    %lt3A_49 = arith.constant 0 : i32
    %lt3A_50 = arith.cmpi slt, %select_n3A_44, %lt3A_49 : i32
    %ne3A_51 = arith.xori %lt3A_48, %lt3A_50 : i1
    %and3A_52 = arith.andi %ne3A_51, %ne3A_47 : i1
    %add3A_53 = arith.addi %rem3A_45, %select_n3A_44 : i32
    %select_n3A_54 = arith.select %and3A_52, %add3A_53, %rem3A_45 : i32
    %mul3A_55 = arith.constant 16 : i32
    %mul3A_56 = arith.muli %select_n3A_54, %mul3A_55 : i32
    %jit3A_57 = arith.constant 2 : i32
    %eq3A_58 = arith.constant 0 : i32
    %eq3A_59 = arith.cmpi eq, %jit3A_57, %eq3A_58 : i32
    %jit3A_60 = arith.constant 1 : i32
    %select_n3A_61 = arith.select %eq3A_59, %jit3A_60, %jit3A_57 : i32
    %rem3A_62 = arith.remsi %add3A, %select_n3A_61 : i32
    %ne3A_63 = arith.constant 0 : i32
    %ne3A_64 = arith.cmpi ne, %rem3A_62, %ne3A_63 : i32
    %lt3A_65 = arith.constant 0 : i32
    %lt3A_66 = arith.cmpi slt, %rem3A_62, %lt3A_65 : i32
    %lt3A_67 = arith.constant 0 : i32
    %lt3A_68 = arith.cmpi slt, %select_n3A_61, %lt3A_67 : i32
    %ne3A_69 = arith.xori %lt3A_66, %lt3A_68 : i1
    %and3A_70 = arith.andi %ne3A_69, %ne3A_64 : i1
    %add3A_71 = arith.addi %rem3A_62, %select_n3A_61 : i32
    %select_n3A_72 = arith.select %and3A_70, %add3A_71, %rem3A_62 : i32
    %eq3A_73 = arith.constant 0 : i32
    %eq3A_74 = arith.cmpi eq, %select_n3A_72, %eq3A_73 : i32
    %convert_element_type3A = arith.extui %eq3A_74 : i1 to i32
    %cond3A = arith.constant 0 : i32
    %cond3A_75 = arith.cmpi ne, %convert_element_type3A, %cond3A : i32
    scf.if %cond3A_75 {
      %run_scoped3A = arith.constant 10 : i32
      "tpu.region"() ({
        %run_scoped3A_97 = tpu.sem_alloc : memref<!tpu.dma_semaphore, #tpu.memory_space<semaphore_mem>>
        %dma_start3A = arith.constant 0 : i32
        %dma_start3A_98 = arith.constant 0 : i32
        %dma_start3A_99 = tpu.memref_slice %arg2[%run_scoped3A, %select_n3A_40, %mul3A_56, %dma_start3A, %dma_start3A_98] : memref<200x8x32x8x128xf32, #tpu.memory_space<hbm>> -> memref<1x1x16x8x128xf32, #tpu.memory_space<hbm>>
        %dma_start3A_100 = tpu.memref_squeeze %dma_start3A_99 : memref<1x1x16x8x128xf32, #tpu.memory_space<hbm>> -> memref<16x8x128xf32, #tpu.memory_space<hbm>>
        %dma_start3A_101 = arith.constant 0 : i32
        %dma_start3A_102 = arith.constant 0 : i32
        %dma_start3A_103 = tpu.memref_slice %arg2[%run_scoped3A, %select_n3A_40, %mul3A_56, %dma_start3A_101, %dma_start3A_102] : memref<200x8x32x8x128xf32, #tpu.memory_space<hbm>> -> memref<1x1x16x8x128xf32, #tpu.memory_space<hbm>>
        %dma_start3A_104 = tpu.memref_squeeze %dma_start3A_103 : memref<1x1x16x8x128xf32, #tpu.memory_space<hbm>> -> memref<16x8x128xf32, #tpu.memory_space<hbm>>
        tpu.enqueue_dma source(%dma_start3A_104 : memref<16x8x128xf32, #tpu.memory_space<hbm>>) target(%arg6 : memref<16x8x128xf32, #tpu.memory_space<vmem>>) target_semaphore(%run_scoped3A_97 : memref<!tpu.dma_semaphore, #tpu.memory_space<semaphore_mem>>)
        %dma_wait3A = arith.constant 0 : i32
        %dma_wait3A_105 = arith.constant 0 : i32
        %dma_wait3A_106 = tpu.memref_slice %arg2[%run_scoped3A, %select_n3A_40, %mul3A_56, %dma_wait3A, %dma_wait3A_105] : memref<200x8x32x8x128xf32, #tpu.memory_space<hbm>> -> memref<1x1x16x8x128xf32, #tpu.memory_space<hbm>>
        %dma_wait3A_107 = tpu.memref_squeeze %dma_wait3A_106 : memref<1x1x16x8x128xf32, #tpu.memory_space<hbm>> -> memref<16x8x128xf32, #tpu.memory_space<hbm>>
        %dma_wait3A_108 = arith.constant 0 : i32
        %dma_wait3A_109 = arith.constant 0 : i32
        %dma_wait3A_110 = tpu.memref_slice %arg2[%run_scoped3A, %select_n3A_40, %mul3A_56, %dma_wait3A_108, %dma_wait3A_109] : memref<200x8x32x8x128xf32, #tpu.memory_space<hbm>> -> memref<1x1x16x8x128xf32, #tpu.memory_space<hbm>>
        %dma_wait3A_111 = tpu.memref_squeeze %dma_wait3A_110 : memref<1x1x16x8x128xf32, #tpu.memory_space<hbm>> -> memref<16x8x128xf32, #tpu.memory_space<hbm>>
        tpu.wait_dma2 semaphore(%run_scoped3A_97 : memref<!tpu.dma_semaphore, #tpu.memory_space<semaphore_mem>>) src(%dma_wait3A_111 : memref<16x8x128xf32, #tpu.memory_space<hbm>>) dst(%arg6 : memref<16x8x128xf32, #tpu.memory_space<vmem>>)
        tpu.yield
      }) : () -> ()
      "tpu.region"() ({
        %run_scoped3A_97 = tpu.sem_alloc : memref<!tpu.dma_semaphore, #tpu.memory_space<semaphore_mem>>
        %dma_start3A = arith.constant 0 : i32
        %dma_start3A_98 = arith.constant 0 : i32
        %dma_start3A_99 = tpu.memref_slice %arg4[%select_n3A_40, %mul3A_56, %dma_start3A, %dma_start3A_98] : memref<8x32x8x128xf32, #tpu.memory_space<hbm>> -> memref<1x16x8x128xf32, #tpu.memory_space<hbm>>
        %dma_start3A_100 = tpu.memref_squeeze %dma_start3A_99 : memref<1x16x8x128xf32, #tpu.memory_space<hbm>> -> memref<16x8x128xf32, #tpu.memory_space<hbm>>
        %dma_start3A_101 = arith.constant 0 : i32
        %dma_start3A_102 = arith.constant 0 : i32
        %dma_start3A_103 = tpu.memref_slice %arg4[%select_n3A_40, %mul3A_56, %dma_start3A_101, %dma_start3A_102] : memref<8x32x8x128xf32, #tpu.memory_space<hbm>> -> memref<1x16x8x128xf32, #tpu.memory_space<hbm>>
        %dma_start3A_104 = tpu.memref_squeeze %dma_start3A_103 : memref<1x16x8x128xf32, #tpu.memory_space<hbm>> -> memref<16x8x128xf32, #tpu.memory_space<hbm>>
        tpu.enqueue_dma source(%arg6 : memref<16x8x128xf32, #tpu.memory_space<vmem>>) target(%dma_start3A_104 : memref<16x8x128xf32, #tpu.memory_space<hbm>>) target_semaphore(%run_scoped3A_97 : memref<!tpu.dma_semaphore, #tpu.memory_space<semaphore_mem>>)
        %dma_wait3A = arith.constant 0 : i32
        %dma_wait3A_105 = arith.constant 0 : i32
        %dma_wait3A_106 = tpu.memref_slice %arg4[%select_n3A_40, %mul3A_56, %dma_wait3A, %dma_wait3A_105] : memref<8x32x8x128xf32, #tpu.memory_space<hbm>> -> memref<1x16x8x128xf32, #tpu.memory_space<hbm>>
        %dma_wait3A_107 = tpu.memref_squeeze %dma_wait3A_106 : memref<1x16x8x128xf32, #tpu.memory_space<hbm>> -> memref<16x8x128xf32, #tpu.memory_space<hbm>>
        %dma_wait3A_108 = arith.constant 0 : i32
        %dma_wait3A_109 = arith.constant 0 : i32
        %dma_wait3A_110 = tpu.memref_slice %arg4[%select_n3A_40, %mul3A_56, %dma_wait3A_108, %dma_wait3A_109] : memref<8x32x8x128xf32, #tpu.memory_space<hbm>> -> memref<1x16x8x128xf32, #tpu.memory_space<hbm>>
        %dma_wait3A_111 = tpu.memref_squeeze %dma_wait3A_110 : memref<1x16x8x128xf32, #tpu.memory_space<hbm>> -> memref<16x8x128xf32, #tpu.memory_space<hbm>>
        tpu.wait_dma2 semaphore(%run_scoped3A_97 : memref<!tpu.dma_semaphore, #tpu.memory_space<semaphore_mem>>) src(%arg6 : memref<16x8x128xf32, #tpu.memory_space<vmem>>) dst(%dma_wait3A_111 : memref<16x8x128xf32, #tpu.memory_space<hbm>>)
        tpu.yield
      }) : () -> ()
    } else {
    }
    %jit3A_76 = arith.constant 2 : i32
    %eq3A_77 = arith.constant 0 : i32
    %eq3A_78 = arith.cmpi eq, %jit3A_76, %eq3A_77 : i32
    %jit3A_79 = arith.constant 1 : i32
    %select_n3A_80 = arith.select %eq3A_78, %jit3A_79, %jit3A_76 : i32
    %rem3A_81 = arith.remsi %add3A, %select_n3A_80 : i32
    %ne3A_82 = arith.constant 0 : i32
    %ne3A_83 = arith.cmpi ne, %rem3A_81, %ne3A_82 : i32
    %lt3A_84 = arith.constant 0 : i32
    %lt3A_85 = arith.cmpi slt, %rem3A_81, %lt3A_84 : i32
    %lt3A_86 = arith.constant 0 : i32
    %lt3A_87 = arith.cmpi slt, %select_n3A_80, %lt3A_86 : i32
    %ne3A_88 = arith.xori %lt3A_85, %lt3A_87 : i1
    %and3A_89 = arith.andi %ne3A_88, %ne3A_83 : i1
    %add3A_90 = arith.addi %rem3A_81, %select_n3A_80 : i32
    %select_n3A_91 = arith.select %and3A_89, %add3A_90, %rem3A_81 : i32
    %eq3A_92 = arith.constant 1 : i32
    %eq3A_93 = arith.cmpi eq, %select_n3A_91, %eq3A_92 : i32
    %convert_element_type3A_94 = arith.extui %eq3A_93 : i1 to i32
    %cond3A_95 = arith.constant 0 : i32
    %cond3A_96 = arith.cmpi ne, %convert_element_type3A_94, %cond3A_95 : i32
    scf.if %cond3A_96 {
      %run_scoped3A = arith.constant 10 : i32
      "tpu.region"() ({
        %run_scoped3A_97 = tpu.sem_alloc : memref<!tpu.dma_semaphore, #tpu.memory_space<semaphore_mem>>
        %dma_start3A = arith.constant 0 : i32
        %dma_start3A_98 = arith.constant 0 : i32
        %dma_start3A_99 = tpu.memref_slice %arg3[%run_scoped3A, %select_n3A_40, %mul3A_56, %dma_start3A, %dma_start3A_98] : memref<200x8x32x8x128xf32, #tpu.memory_space<hbm>> -> memref<1x1x16x8x128xf32, #tpu.memory_space<hbm>>
        %dma_start3A_100 = tpu.memref_squeeze %dma_start3A_99 : memref<1x1x16x8x128xf32, #tpu.memory_space<hbm>> -> memref<16x8x128xf32, #tpu.memory_space<hbm>>
        %dma_start3A_101 = arith.constant 0 : i32
        %dma_start3A_102 = arith.constant 0 : i32
        %dma_start3A_103 = tpu.memref_slice %arg3[%run_scoped3A, %select_n3A_40, %mul3A_56, %dma_start3A_101, %dma_start3A_102] : memref<200x8x32x8x128xf32, #tpu.memory_space<hbm>> -> memref<1x1x16x8x128xf32, #tpu.memory_space<hbm>>
        %dma_start3A_104 = tpu.memref_squeeze %dma_start3A_103 : memref<1x1x16x8x128xf32, #tpu.memory_space<hbm>> -> memref<16x8x128xf32, #tpu.memory_space<hbm>>
        tpu.enqueue_dma source(%dma_start3A_104 : memref<16x8x128xf32, #tpu.memory_space<hbm>>) target(%arg6 : memref<16x8x128xf32, #tpu.memory_space<vmem>>) target_semaphore(%run_scoped3A_97 : memref<!tpu.dma_semaphore, #tpu.memory_space<semaphore_mem>>)
        %dma_wait3A = arith.constant 0 : i32
        %dma_wait3A_105 = arith.constant 0 : i32
        %dma_wait3A_106 = tpu.memref_slice %arg3[%run_scoped3A, %select_n3A_40, %mul3A_56, %dma_wait3A, %dma_wait3A_105] : memref<200x8x32x8x128xf32, #tpu.memory_space<hbm>> -> memref<1x1x16x8x128xf32, #tpu.memory_space<hbm>>
        %dma_wait3A_107 = tpu.memref_squeeze %dma_wait3A_106 : memref<1x1x16x8x128xf32, #tpu.memory_space<hbm>> -> memref<16x8x128xf32, #tpu.memory_space<hbm>>
        %dma_wait3A_108 = arith.constant 0 : i32
        %dma_wait3A_109 = arith.constant 0 : i32
        %dma_wait3A_110 = tpu.memref_slice %arg3[%run_scoped3A, %select_n3A_40, %mul3A_56, %dma_wait3A_108, %dma_wait3A_109] : memref<200x8x32x8x128xf32, #tpu.memory_space<hbm>> -> memref<1x1x16x8x128xf32, #tpu.memory_space<hbm>>
        %dma_wait3A_111 = tpu.memref_squeeze %dma_wait3A_110 : memref<1x1x16x8x128xf32, #tpu.memory_space<hbm>> -> memref<16x8x128xf32, #tpu.memory_space<hbm>>
        tpu.wait_dma2 semaphore(%run_scoped3A_97 : memref<!tpu.dma_semaphore, #tpu.memory_space<semaphore_mem>>) src(%dma_wait3A_111 : memref<16x8x128xf32, #tpu.memory_space<hbm>>) dst(%arg6 : memref<16x8x128xf32, #tpu.memory_space<vmem>>)
        tpu.yield
      }) : () -> ()
      "tpu.region"() ({
        %run_scoped3A_97 = tpu.sem_alloc : memref<!tpu.dma_semaphore, #tpu.memory_space<semaphore_mem>>
        %dma_start3A = arith.constant 0 : i32
        %dma_start3A_98 = arith.constant 0 : i32
        %dma_start3A_99 = tpu.memref_slice %arg5[%select_n3A_40, %mul3A_56, %dma_start3A, %dma_start3A_98] : memref<8x32x8x128xf32, #tpu.memory_space<hbm>> -> memref<1x16x8x128xf32, #tpu.memory_space<hbm>>
        %dma_start3A_100 = tpu.memref_squeeze %dma_start3A_99 : memref<1x16x8x128xf32, #tpu.memory_space<hbm>> -> memref<16x8x128xf32, #tpu.memory_space<hbm>>
        %dma_start3A_101 = arith.constant 0 : i32
        %dma_start3A_102 = arith.constant 0 : i32
        %dma_start3A_103 = tpu.memref_slice %arg5[%select_n3A_40, %mul3A_56, %dma_start3A_101, %dma_start3A_102] : memref<8x32x8x128xf32, #tpu.memory_space<hbm>> -> memref<1x16x8x128xf32, #tpu.memory_space<hbm>>
        %dma_start3A_104 = tpu.memref_squeeze %dma_start3A_103 : memref<1x16x8x128xf32, #tpu.memory_space<hbm>> -> memref<16x8x128xf32, #tpu.memory_space<hbm>>
        tpu.enqueue_dma source(%arg6 : memref<16x8x128xf32, #tpu.memory_space<vmem>>) target(%dma_start3A_104 : memref<16x8x128xf32, #tpu.memory_space<hbm>>) target_semaphore(%run_scoped3A_97 : memref<!tpu.dma_semaphore, #tpu.memory_space<semaphore_mem>>)
        %dma_wait3A = arith.constant 0 : i32
        %dma_wait3A_105 = arith.constant 0 : i32
        %dma_wait3A_106 = tpu.memref_slice %arg5[%select_n3A_40, %mul3A_56, %dma_wait3A, %dma_wait3A_105] : memref<8x32x8x128xf32, #tpu.memory_space<hbm>> -> memref<1x16x8x128xf32, #tpu.memory_space<hbm>>
        %dma_wait3A_107 = tpu.memref_squeeze %dma_wait3A_106 : memref<1x16x8x128xf32, #tpu.memory_space<hbm>> -> memref<16x8x128xf32, #tpu.memory_space<hbm>>
        %dma_wait3A_108 = arith.constant 0 : i32
        %dma_wait3A_109 = arith.constant 0 : i32
        %dma_wait3A_110 = tpu.memref_slice %arg5[%select_n3A_40, %mul3A_56, %dma_wait3A_108, %dma_wait3A_109] : memref<8x32x8x128xf32, #tpu.memory_space<hbm>> -> memref<1x16x8x128xf32, #tpu.memory_space<hbm>>
        %dma_wait3A_111 = tpu.memref_squeeze %dma_wait3A_110 : memref<1x16x8x128xf32, #tpu.memory_space<hbm>> -> memref<16x8x128xf32, #tpu.memory_space<hbm>>
        tpu.wait_dma2 semaphore(%run_scoped3A_97 : memref<!tpu.dma_semaphore, #tpu.memory_space<semaphore_mem>>) src(%arg6 : memref<16x8x128xf32, #tpu.memory_space<vmem>>) dst(%dma_wait3A_111 : memref<16x8x128xf32, #tpu.memory_space<hbm>>)
        tpu.yield
      }) : () -> ()
    } else {
    }
    return
  }
}

</mosaic_0001>

<sc_bundles>
// kernel: kernel.3.cloned.1.call-start
scs
__scs_entry_jumppad:
0x0: {  	(pc) =	sbr.rel $0x88, $3  }
0x1: {  	(tag) =	ssettag $0x0;
	lr =	simm.s32 $0x1  }
0x2: {  	[smem:$0x3F9F] =	sst lr;
	_ =	strace $0xD0000000  }
0x3: {  	_ = 	snop  }
0x4: {  	_ = 	snop  }
0x5: {  	_ = 	snop  }
0x6: {  	_ = 	snop  }
0x7: {  	_ = 	snop  }
__scs_overlays_trampoline_lowered:
0x8: {  	[smem:$0x3FAE] =	sst s0  }
0x9: {  	[smem:$0x3FAF] =	sst s1  }
0xa: {  	[smem:$0x3FB0] =	sst s2  }
0xb: {  	[smem:$0x3FB1] =	sst s3  }
0xc: {  	[smem:$0x3FB2] =	sst s4  }
0xd: {  	[smem:$0x3FB3] =	sst s5  }
0xe: {  	[smem:$0x3FB4] =	sst s6  }
0xf: {  	[smem:$0x3FB5] =	sst s7  }
0x10: {  	[smem:$0x3FB6] =	sst s8  }
0x11: {  	[smem:$0x3FB7] =	sst s9;
	s0 =	simm.s32 @!p0 $0x0  }
0x12: {  	s1 =	sld [smem:$0x3F9D];
	s0 =	simm.s32 @p0 $0x1  }
0x13: {  	[smem:$0x3FB8] =	sst s0;
	s0 =	simm.s32 @!p1 $0x0  }
0x14: {  	s2 =	sld [smem:$0x3F9C];
	s0 =	simm.s32 @p1 $0x1  }
0x15: {  	[smem:$0x3FB9] =	sst s0;
	s0 =	simm.s32 @!p2 $0x0  }
0x16: {  	s3 =	sld [smem:$0x3FDB];
	s0 =	simm.s32 @p2 $0x1  }
0x17: {  	s4 =	simm.s32 $0x1BF5;
	[smem:$0x3FBB] =	sst s0  }
0x18: {  	s0 =	sld [smem:$0x3F9E];
	_ =	swait.ge [sflag:s4], $0x0  }
0x19: {  	s7 =	sld [smem:$0x3F9F]  }
0x1a: {  	s8 =	sadd.s32 $0xFFFFE003, lr  }
0x1b: {  	s9 =	sadd.s32 $0xFFFFFEF7, lr;
	s5 =	simm.s32 $0xFFFFFFFF;
	p2 =	slt.u32 s8, $0xFFFFF086  }
0x1c: {  	p1 =	slt.u32 s9, $0xF7A;
	s5 =	simm.s32 @!p2 $0x0  }
0x1d: {  	s5 =	simm.s32 @p1 $0x1;
	p0 =	seq.s32 s7, s2  }
0x1e: {  	s7 =	smul.u32 @!p0 $0xF7A, s2;
	p2 =	seq.s32 @!p0 s5, $0x0  }
0x1f: {  	s9 =	smul.u32 $0xF7A, s1;
	s8 =	simm.s32 @!p0 $0x1BF5;
	p2 =	por !p2, p0  }
0x20: {  	[sflag:s8] =	ssyncset.s32 @!p0 $0xFFFFF086;
	s6 =	sadd.s32 @!p0 s3, s7;
	s7 =	simm.s32 @!p0 $0x108  }
0x21: {  	s3 =	sadd.s32 s3, s9;
	s6 =	sadd.s32 @!p0 $0x88, s6;
	s7 =	simm.s32 @p2 $0x1082  }
0x22: {  	[simem:s7], [sflag:s8] =	dma.local @!p0 [hbm:s6], $0xF7A  }
0x23: {  	s9 =	sor.u32 $0xD0000000, s2;
	s6 =	simm.s32 $0x108;
	_ =	swait.ge @!p0 [sflag:s8], $0x0  }
0x24: {  	s3 =	sadd.s32 $0x88, s3;
	s6 =	simm.s32 @!p1 $0x1082;
	[sflag:s4] =	ssyncset.s32 $0xFFFFF086  }
0x25: {  	[simem:s6], [sflag:s4] =	dma.local [hbm:s3], $0xF7A  }
0x26: {  	[smem:$0x3F9F] =	sst s1;
	(tag) =	ssettag s2;
	_ =	strace s9  }
0x27: {  	s1 =	sld [smem:$0x3FAF]  }
0x28: {  	s2 =	sld [smem:$0x3FB0]  }
0x29: {  	s4 =	sld [smem:$0x3FB2]  }
0x2a: {  	p0 =	seq.s32 s5, $0x0;
	s5 =	sld [smem:$0x3FB3]  }
0x2b: {  	s6 =	sld [smem:$0x3FB4]  }
0x2c: {  	s7 =	sld [smem:$0x3FB5]  }
0x2d: {  	s3 =	simm.s32 $0x108;
	s8 =	sld [smem:$0x3FB6]  }
0x2e: {  	s3 =	simm.s32 @!p0 $0x1082;
	s9 =	sld [smem:$0x3FB7]  }
0x2f: {  	lr =	sadd.s32 s0, s3;
	s0 =	sld [smem:$0x3FAE]  }
0x30: {  	s3 =	sld [smem:$0x3FB1]  }
0x31: {  	[smem:$0x3FBA] =	sst s10  }
0x32: {  	s10 =	sld [smem:$0x3FB8];
	_ =	sdelay $0x3  }
0x33: {  	p0 =	seq.s32 s10, $0x1;
	s10 =	sld [smem:$0x3FBA];
	_ =	sdelay $0x3  }
0x34: {  	[smem:$0x3FBA] =	sst s10  }
0x35: {  	s10 =	sld [smem:$0x3FB9];
	_ =	sdelay $0x3  }
0x36: {  	p1 =	seq.s32 s10, $0x1;
	s10 =	sld [smem:$0x3FBA];
	_ =	sdelay $0x3  }
0x37: {  	[smem:$0x3FBA] =	sst s10  }
0x38: {  	s10 =	sld [smem:$0x3FBB]  }
0x39: {  	_ = 	snop;
	(pc) =	sbr.ind lr, $3  }
0x3a: {  	_ = 	snop  }
0x3b: {  	_ = 	snop  }
0x3c: {  	p2 =	seq.s32 s10, $0x1;
	s10 =	sld [smem:$0x3FBA]  }
0x3d: {  	_ =	shalt  }
0x3e: {  	_ =	shalt  }
0x3f: {  	_ =	shalt  }
0x40: {  	_ =	shalt  }
0x41: {  	_ =	shalt  }
0x42: {  	_ =	shalt  }
0x43: {  	_ =	shalt  }
0x44: {  	_ =	shalt  }
0x45: {  	_ =	shalt  }
0x46: {  	_ =	shalt  }
0x47: {  	_ =	shalt  }
0x48: {  	_ =	shalt  }
0x49: {  	_ =	shalt  }
0x4a: {  	_ =	shalt  }
0x4b: {  	_ =	shalt  }
0x4c: {  	_ =	shalt  }
0x4d: {  	_ =	shalt  }
0x4e: {  	_ =	shalt  }
0x4f: {  	_ =	shalt  }
0x50: {  	_ =	shalt  }
0x51: {  	_ =	shalt  }
0x52: {  	_ =	shalt  }
0x53: {  	_ =	shalt  }
0x54: {  	_ =	shalt  }
0x55: {  	_ =	shalt  }
0x56: {  	_ =	shalt  }
0x57: {  	_ =	shalt  }
0x58: {  	_ =	shalt  }
0x59: {  	_ =	shalt  }
0x5a: {  	_ =	shalt  }
0x5b: {  	_ =	shalt  }
0x5c: {  	_ =	shalt  }
0x5d: {  	_ =	shalt  }
0x5e: {  	_ =	shalt  }
0x5f: {  	_ =	shalt  }
0x60: {  	_ =	shalt  }
0x61: {  	_ =	shalt  }
0x62: {  	_ =	shalt  }
0x63: {  	_ =	shalt  }
0x64: {  	_ =	shalt  }
0x65: {  	_ =	shalt  }
0x66: {  	_ =	shalt  }
0x67: {  	_ =	shalt  }
0x68: {  	_ =	shalt  }
0x69: {  	_ =	shalt  }
0x6a: {  	_ =	shalt  }
0x6b: {  	_ =	shalt  }
0x6c: {  	_ =	shalt  }
0x6d: {  	_ =	shalt  }
0x6e: {  	_ =	shalt  }
0x6f: {  	_ =	shalt  }
0x70: {  	_ =	shalt  }
0x71: {  	_ =	shalt  }
0x72: {  	_ =	shalt  }
0x73: {  	_ =	shalt  }
0x74: {  	_ =	shalt  }
0x75: {  	_ =	shalt  }
0x76: {  	_ =	shalt  }
0x77: {  	_ =	shalt  }
0x78: {  	_ =	shalt  }
0x79: {  	_ =	shalt  }
0x7a: {  	_ =	shalt  }
0x7b: {  	_ =	shalt  }
0x7c: {  	_ =	shalt  }
0x7d: {  	_ =	shalt  }
0x7e: {  	_ =	shalt  }
0x7f: {  	_ =	shalt  }
0x80: {  	_ =	shalt  }
0x81: {  	_ =	shalt  }
0x82: {  	_ =	shalt  }
0x83: {  	_ =	shalt  }
0x84: {  	_ =	shalt  }
0x85: {  	_ =	shalt  }
0x86: {  	_ =	shalt  }
0x87: {  	_ =	shalt  }
.Lfunc_end0:
.L_simem_size_0:
called_computation_lowered:
.L_overlay_start_0:
0x88: {  	s2 =	sld [smem:$0x3FD9]  }
0x89: {  	s3 =	sld [smem:$0x3FFE];
	_ =	sdelay $0x1  }
0x8a: {  	s1 =	srdreg.scid  }
0x8b: {  	s0 =	sand.u32 $0x1, s1  }
0x8c: {  	s15 =	sshll.u32 s0, $0xA;
	s2 =	sadd.s32 s3, s2  }
0x8d: {  	s2 =	sadd.s32 s2, s15  }
0x8e: {  	[smem:$0x3FC6] =	sst s2  }
0x8f: {  	_ = 	snop  }
0x90: {  	s2 =	sld [smem:$0x3FD0];
	_ =	sdelay $0x1  }
0x91: {  	s16 =	sld [smem:$0x3FC9]  }
0x92: {  	s5 =	simm.s32 $0xA;
	s6 =	simm.s32 $0x10;
	s4 =	sld [smem:$0x3FC8]  }
0x93: {  	[smem:s6], [sflag:s5] =	dma.local [hbm:s2], $0x1  }
0x94: {  	_ =	swait.eq [sflag:s5], $0x1  }
0x95: {  	[sflag:s5] =	ssyncset.done $0x0  }
0x96: {  	s17 =	sld [smem:$0x10];
	[sflag:s5] =	ssyncadd.s32 $0xFFFFFFFF  }
0x97: {  	s18 =	sld [smem:$0x11];
	(tm) =	ssettm $0x1  }
0x98: {  	s19 =	sld [smem:$0x3FFB];
	_ =	sdelay $0x3  }
0x99: {  	_ =	strace s19  }
0x9a: {  	s6 =	sld [smem:$0x3FFC];
	_ =	sdelay $0x3  }
0x9b: {  	_ =	strace s6  }
0x9c: {  	s6 =	sld [smem:$0x3FFD];
	_ =	sdelay $0x3  }
0x9d: {  	_ =	strace s6  }
0x9e: {  	_ =	strace $0x8FFFFFFF  }
0x9f: {  	s20 =	sld [smem:$0x3FDB];
	_ =	sdelay $0x1  }
0xa0: {  	s7 =	simm.s32 $_scs_section_size  }
0xa1: {  	s8 =	simm.s32 $_size__tile_overlayer_lowered;
	s9 =	simm.s32 $_tile_overlayer_lowered  }
0xa2: {  	s23 =	simm.s32 $0x1BFF;
	s22 =	sshll.u32 s9, $0x1;
	s6 =	sadd.s32 s7, s20  }
0xa3: {  	s10 =	simm.s32 $0x0;
	s21 =	sshll.u32 s8, $0x1;
	s8 =	sadd.s32 s22, s6  }
0xa4: {  	[timem:s10], [sflag:s23] =	dma.local [hbm:s8], s21  }
0xa5: {  	_ =	swait.ge [sflag:s23], s21  }
0xa6: {  	s7 =	ssub.s32 $0x0, s21;
	[sflag:s23] =	ssyncset.done $0x0  }
0xa7: {  	[sflag:s23] =	ssyncadd.s32 s7;
	_ =	sdelay $0x1  }
0xa8: {  	s24 =	simm.s32 $0x1B8B  }
0xa9: {  	_ =	swait.ge [sflag:s24], $0x1  }
0xaa: {  	[sflag:s24] =	ssyncset.done $0x0  }
0xab: {  	s25 =	simm.s32 $0x1B8E;
	[sflag:s24] =	ssyncadd.s32 $0xFFFFFFFF  }
0xac: {  	s26 =	simm.s32 $execute0_lowered;
	[smem:$0x3FD2] =	sst s25  }
0xad: {  	s7 =	sshll.u32 s26, $0x1;
	_ =	strace $0x80000046;
	[dreg:$0x1] =	wrdreg $0xFFFFFFFF  }
0xae: {  	s28 =	simm.s32 $_size_execute0_lowered;
	s6 =	sadd.s32 s6, s7;
	[dreg:$0x0] =	wrdreg $0x0  }
0xaf: {  	s7 =	sshll.u32 s28, $0x1;
	[dreg:$0x2] =	wrdreg s6  }
0xb0: {  	[dreg:$0x3] =	wrdreg s7  }
0xb1: {  	[dreg:$0x4] =	wrdreg $0xC0  }
0xb2: {  	_ =	task [dreg:s10], $0x5FFFF  }
0xb3: {  	[dreg:$0x1] =	wrdreg $0xFFFFFFFF  }
0xb4: {  	[dreg:$0x0] =	wrdreg $0x60  }
0xb5: {  	[dreg:$0x2] =	wrdreg s16  }
0xb6: {  	[dreg:$0x3] =	wrdreg s4  }
0xb7: {  	[dreg:$0x4] =	wrdreg s17  }
0xb8: {  	[dreg:$0x5] =	wrdreg s18  }
0xb9: {  	[dreg:$0x6] =	wrdreg $0x9  }
0xba: {  	_ =	task.clear_ibuf [dreg:s10], $0x7FFFF;
	_ =	strace $0x90000046  }
0xbb: {  	s29 =	simm.s32 $0x9;
	_ =	strace $0x80000048  }
0xbc: {  	_ =	swait.ge [sflag:s29], $0x1  }
0xbd: {  	[sflag:s29] =	ssyncadd.s32 $0xFFFFFFFF  }
0xbe: {  	_ =	strace $0x90000048  }
0xbf: {  	_ =	sfence  }
0xc0: {  	s30 =	sld [smem:$0x0];
	_ =	sdelay $0x2  }
0xc1: {  	s31 =	sshll.u32 s1, $0xD;
	s1 =	sshrl.u32 s1, $0x2  }
0xc2: {  	s3 =	sand.u32 $0x4000, s31;
	s1 =	sadd.s32 s1, s30  }
0xc3: {  	s0 =	sor.u32 s3, s0;
	s1 =	sshll.u32 s1, $0x11  }
0xc4: {  	s0 =	sor.u32 s1, s0  }
0xc5: {  	s0 =	sadd.s32 $0x8F2B, s0  }
0xc6: {  	[sflag:s0] =	ssyncadd.remote.s32 $0x1  }
0xc7: {  	_ =	sfence.sel $0xFFFF  }
0xc8: {  	[dreg:$0x0] =	wrdreg $0xFFFFFFFF;
	(pc) =	sbr.abs _section_cstart, $3  }
0xc9: {  	[dreg:$0x1] =	wrdreg $0xFFFFFFFF  }
0xca: {  	_ =	task.clear_ibuf [dreg:s10], $0x2FFFF;
	_ =	strace $0x9FFFFFFF  }
0xcb: {  	(tm) =	ssettm $0x7FFFFFFF  }
tec
execute0_lowered:
.L_overlay_start_1:
0x0: {  	(tag) =	ssettag $0x1  }
0x1: {  	s1 =	srdreg.scid  }
0x2: {  	s0 =	stileid.u32;
	s7 =	sand.u32 $0x1, s1  }
0x3: {  	s1 =	sor.u32 s7, s0  }
0x4: {  	p0 =	seq.s32 s7, $0x1;
	p1 =	seq.s32 s1, $0x0  }
0x5: {  	p1 =	por !p1, !p0  }
0x6: {  	s1 =	simm.s32 $0x1;
	p1 =	por !p1, !p1  }
0x7: {  	s1 =	simm.s32 @!p1 $0x0  }
0x8: {  	s1 =	ssub.s32 s0, s1  }
0x9: {  	s2 =	sand.u32 $0x80, s1  }
0xa: {  	s2 =	sshrl.u32 s2, $0x7  }
0xb: {  	s4 =	rddreg [dreg:$0x0];
	s2 =	sadd.s32 s2, s1  }
0xc: {  	s6 =	rddreg [dreg:$0x1];
	s3 =	sand.u32 $0xFFFFFFFE, s2  }
0xd: {  	s5 =	rddreg [dreg:$0x2];
	s10 =	ssub.s32 $0x2, s7;
	s3 =	ssub.s32 s1, s3  }
0xe: {  	s31 =	sshrl.u32 s10, $0x1;
	p6 =	slt.s32 s1, $0x1;
	p2 =	sne.s32 s3, $0x0  }
0xf: {  	s8 =	rddreg [dreg:$0x3];
	s10 =	ssub.s32 s10, s31;
	p1 =	por !p6, !p2  }
0x10: {  	s1 =	simm.s32 $0x1;
	s3 =	sshll.u32 s3, $0xE;
	p1 =	por !p1, !p1  }
0x11: {  	s2 =	sshrl.u32 s2, $0x1;
	s3 =	sand.u32 $0x4000, s3;
	s1 =	simm.s32 @!p1 $0x0  }
0x12: {  	p1 =	seq.s32 @!p0 s7, $0x0;
	s2 =	ssub.s32 s2, s1;
	s1 =	rddreg [dreg:$0x4]  }
0x13: {  	p1 =	por p0, !p1;
	s9 =	sshll.u32 s2, $0xF;
	s2 =	simm.s32 $0x0  }
0x14: {  	s9 =	sor.u32 s3, s9;
	[smem:$0x7FF] =	sst s2;
	s3 =	simm.s32 $0x1  }
0x15: {  	s11 =	sadd.s32 $0x280000, s9;
	_ =	strace $0x80000047;
	s9 =	sshrl.u32 s9, $0x3  }
0x16: {  	s11 =	sshrl.u32 s11, $0x3;
	s5 =	sadd.s32 s5, s9;
	s7 =	sadd.s32 s8, s9  }
0x17: {  	s8 =	smax.u32 s10, $0x1;
	s4 =	sadd.s32 s4, s11;
	s6 =	sadd.s32 s6, s11  }
.LBB2_1:
0x18: {  	s9 =	simm.s32 @!p0 $0x0;
	s10 =	simm.s32 @!p0 $0x1  }
0x19: {  	[tilespmem:s9], [sflag:$0x1] =	stream.linear.gather @!p0 [hbm4b:s4+s9], $0x4000, $0x38;
	[tilespmem:$0x4000] =	vst v63  }
0x1a: {  	_ =	swait.ge @!p0 [sflag:s10], $0x4000  }
0x1b: {  	[sflag:s10] =	ssyncset.done @!p0 $0x0  }
0x1c: {  	[sflag:s10] =	ssyncadd.s32 @!p0 $0xFFFFC000  }
0x1d: {  	[hbm4b:s5+s9] =	stream.linear.scatter @!p0 [tilespmem:s9], [sflag:$0x1], $0x4000, $0x38;
	[tilespmem:$0x4000] =	vst v63  }
0x1e: {  	_ =	swait.ge @!p0 [sflag:s10], $0x4000  }
0x1f: {  	[sflag:s10] =	ssyncset.done @!p0 $0x0  }
0x20: {  	[sflag:s10] =	ssyncadd.s32 @!p0 $0xFFFFC000  }
0x21: {  	[tilespmem:s2], [sflag:$0x1] =	stream.linear.gather @p1 [hbm4b:s6+s2], $0x4000, $0x38;
	[tilespmem:$0x4000] =	vst v63  }
0x22: {  	s8 =	sadd.s32 $0xFFFFFFFF, s8;
	_ =	swait.ge @p1 [sflag:s3], $0x4000  }
0x23: {  	p2 =	sne.s32 s8, $0x0;
	[sflag:s3] =	ssyncset.done @p1 $0x0  }
.Ltmp0:
0x24: {  	[sflag:s3] =	ssyncadd.s32 @p1 $0xFFFFC000;
	(pc) =	sbr.rel @p2 .LBB2_1-.Ltmp0, $4  }
0x25: {  	[hbm4b:s7+s2] =	stream.linear.scatter @p1 [tilespmem:s2], [sflag:$0x1], $0x4000, $0x38;
	[tilespmem:$0x4000] =	vst v63  }
0x26: {  	_ =	swait.ge @p1 [sflag:s3], $0x4000  }
0x27: {  	[sflag:s3] =	ssyncset.done @p1 $0x0  }
0x28: {  	[sflag:s3] =	ssyncadd.s32 @p1 $0xFFFFC000  }
0x29: {  	_ =	sfence.sel $0x180000  }
0x2a: {  	[bflag:$0x0] =	sbarrier.arrive $0xFFFF  }
0x2b: {  	p0 =	sne.s32 s0, $0x0;
	_ =	strace $0x90000047  }
0x2c: {  	s0 =	sadd.s32 @!p0 $0x100000, s1;
	[bflag:$0x2] =	sbarrier.arrive $0xFFFF  }
0x2d: {  	[sflag:s0] =	ssyncadd.tile.s32 @!p0 $0x1;
	_ =	shalt  }
.Lfunc_end2:
_tile_overlayer_lowered:
.L_overlay_start_2:
0x2e: {  	(tag) =	ssettag $0x2  }
0x2f: {  	s0 =	rddreg [dreg:$0x0];
	s2 =	stileid.u32  }
0x30: {  	s1 =	rddreg [dreg:$0x1];
	p0 =	sne.s32 s2, $0x0  }
0x31: {  	s3 =	rddreg [dreg:$0x2];
	[bflag:$0x3] =	sbarrier.arrive $0xFFFF;
	s2 =	simm.s32 @!p0 $0x1C01  }
0x32: {  	[timem:s3], [sflag:s2] =	dma.local @!p0 [hbm:s0], s1  }
0x33: {  	s0 =	simm.s32 @!p0 $0x1  }
0x34: {  	_ =	swait.ge @!p0 [sflag:s0], s1  }
0x35: {  	s1 =	ssub.s32 @!p0 $0x0, s1;
	[sflag:s0] =	ssyncset.done @!p0 $0x0  }
0x36: {  	[sflag:s0] =	ssyncadd.s32 @!p0 s1  }
0x37: {  	[bflag:$0x3] =	sbarrier.arrive $0xFFFF  }
0x38: {  	_ =	shalt  }

</sc_bundles>
